<compile_context>
chip_gen: v7x
topology: tpu7x:2x2x1
jax: 0.10.2.dev20260603
libtpu: 0.0.44.dev20260713+nightly
codegen_flags: <defaults>
</compile_context>

<pallas_src>
import jax
import jax.numpy as jnp
from jax import lax
from jax.experimental import pallas as pl
from jax.experimental.pallas import tpu as pltpu
from jax.experimental.pallas import tpu_sc as plsc

K_CODES = 1024
DIM = 64
BETA = 0.25

N_ROWS = 16384
ROW_BLOCK = 4096
N_BLOCKS = N_ROWS // ROW_BLOCK
IDX_ROWS = ROW_BLOCK // 128
LCHUNK = 256

NC = 1
NS = 16
NW = NC * NS
CHUNK = 128
N_CHUNKS = N_ROWS // CHUNK
CH_PER_W = N_CHUNKS // NW


def _argmin_body(x_ref, e_ref, idx_ref, lsum_ref, acc_ref):
    i = pl.program_id(0)
    x = x_ref[...].reshape(ROW_BLOCK, DIM)
    e = e_ref[...]
    pv = jnp.sum(x * x, axis=1, keepdims=True)
    el = jnp.sum(e * e, axis=0, keepdims=True)
    s2 = jnp.dot(x + x, e, preferred_element_type=jnp.float32)
    cb = lax.broadcasted_iota(jnp.int32, (ROW_BLOCK, LCHUNK), 1).astype(jnp.float32)
    bestv = (pv + el[:, :LCHUNK]) - s2[:, :LCHUNK]
    bestc = cb
    for k in range(1, K_CODES // LCHUNK):
        d = (pv + el[:, k * LCHUNK:(k + 1) * LCHUNK]) - s2[:, k * LCHUNK:(k + 1) * LCHUNK]
        m = d < bestv
        bestv = jnp.where(m, d, bestv)
        bestc = jnp.where(m, cb + float(k * LCHUNK), bestc)
    rowmin = jnp.min(bestv, axis=1, keepdims=True)
    idxf = jnp.min(jnp.where(bestv == rowmin, bestc, float(K_CODES)), axis=1, keepdims=True)
    idx_ref[...] = idxf.astype(jnp.int32).reshape(IDX_ROWS, 128)

    @pl.when(i == 0)
    def _init():
        acc_ref[0] = 0.0

    acc_ref[0] += jnp.sum(rowmin)

    @pl.when(i == N_BLOCKS - 1)
    def _fini():
        lsum_ref[0, 0] = acc_ref[0] * ((1.0 + BETA) / (N_ROWS * DIM))


def _distances_argmin(x4d, embedding):
    return pl.pallas_call(
        _argmin_body,
        grid=(N_BLOCKS,),
        in_specs=[
            pl.BlockSpec((4, 32, 32, DIM), lambda i: (i, 0, 0, 0)),
            pl.BlockSpec((DIM, K_CODES), lambda i: (0, 0)),
        ],
        out_specs=[
            pl.BlockSpec((IDX_ROWS, 128), lambda i: (i, 0)),
            pl.BlockSpec(memory_space=pltpu.SMEM),
        ],
        out_shape=[
            jax.ShapeDtypeStruct((N_CHUNKS, CHUNK), jnp.int32),
            jax.ShapeDtypeStruct((1, 1), jnp.float32),
        ],
        scratch_shapes=[pltpu.SMEM((1,), jnp.float32)],
    )(x4d, embedding)


def _gather_body(table_hbm, idx_hbm, out_hbm, idx_v, rows_v, sem, sem_out):
    wid = lax.axis_index("s") * NC + lax.axis_index("c")
    base = wid * CH_PER_W
    pltpu.sync_copy(idx_hbm.at[pl.ds(base, CH_PER_W)], idx_v)
    copies = [
        pltpu.async_copy(table_hbm.at[idx_v.at[j]], rows_v.at[j], sem)
        for j in range(CH_PER_W)
    ]
    for c in copies:
        c.wait()
    pltpu.sync_copy(rows_v, out_hbm.at[pl.ds(base, CH_PER_W)])


def _sc_gather(table, idx2d):
    k = pl.kernel(
        _gather_body,
        mesh=plsc.VectorSubcoreMesh(core_axis_name="c", subcore_axis_name="s", num_cores=1),
        out_type=jax.ShapeDtypeStruct((N_CHUNKS, CHUNK, DIM), jnp.float32),
        scratch_types=[
            pltpu.VMEM((CH_PER_W, CHUNK), jnp.int32),
            pltpu.VMEM((CH_PER_W, CHUNK, DIM), jnp.float32),
            pltpu.SemaphoreType.DMA,
            pltpu.SemaphoreType.DMA,
        ],
        compiler_params=pltpu.CompilerParams(use_tc_tiling_on_sc=False),
    )
    return k(table, idx2d)


def kernel(x, embedding):
    table = embedding.T
    idx2d, lsum = _distances_argmin(x, embedding)
    q = _sc_gather(table, idx2d)
    quantized = q.reshape(x.shape)
    loss = lsum.reshape(())
    return quantized, loss

# --- scband reference (transcript-rebuilt; emitter-appended) ---
"""Pipeline reference for scband-vector-quantizer-layer-12970801234233 (READ-ONLY COPY).

The authoritative reference and input builder live on the scoring server;
editing this copy changes nothing except your own understanding.
"""

import jax, jax.numpy as jnp
import numpy as np

EMBEDDING_NUM = 1024
EMBEDDING_DIM = 64
BETA = 0.25

def setup_inputs(seed: int = 0) -> dict:
    key = jax.random.key(seed)
    kx, ke = jax.random.split(key)
    x = jax.random.normal(kx, (16, 32, 32, 64), dtype=jnp.float32)
    # tf.random_uniform_initializer default: uniform in [-0.05, 0.05]
    embedding = jax.random.uniform(ke, (EMBEDDING_DIM, EMBEDDING_NUM), dtype=jnp.float32, minval=-0.05, maxval=0.05)
    return {"x": x, "embedding": embedding}

def _get_closest_index(flattened_vector, embedding):
    pixel_vector_len = jnp.sum(flattened_vector ** 2, axis=1, keepdims=True)
    embedding_len = jnp.sum(embedding ** 2, axis=0, keepdims=True)
    subtract_term = jnp.matmul(flattened_vector, embedding)
    distances = pixel_vector_len + embedding_len - 2.0 * subtract_term
    return jnp.argmin(distances, axis=1)

def reference(x, embedding):
    input_shape = x.shape
    flattened_vector = jnp.reshape(x, (-1, EMBEDDING_DIM))
    encoding_indices = _get_closest_index(flattened_vector, embedding)
    # one_hot @ embedding.T is equivalent to gathering columns of embedding
    quantized_vectors = jnp.take(embedding, encoding_indices, axis=1).T
    quantized_vectors = jnp.reshape(quantized_vectors, input_shape)
    commitment_loss = jnp.mean((x - jax.lax.stop_gradient(quantized_vectors)) ** 2)
    codebook_loss = jnp.mean((jax.lax.stop_gradient(x) - quantized_vectors) ** 2)
    loss = BETA * commitment_loss + codebook_loss
    quantized_st = x + jax.lax.stop_gradient(quantized_vectors - x)
    return quantized_st, loss

if __name__ == "__main__":
    import jax
    _d = setup_inputs()
    print(jax.jit(kernel)(*tuple(_d.values())))

</pallas_src>

<mosaic_0001>
#map = affine_map<(d0, d1) -> (0, 0)>
#map1 = affine_map<(d0, d1) -> (0, 0, 0)>
module attributes {stable_mosaic.version = 14 : i64} {
  func.func @_gather_body(%arg0: i32, %arg1: i32, %arg2: memref<1024x64xf32, #tpu.memory_space<hbm>>, %arg3: memref<128x128xi32, #tpu.memory_space<hbm>>, %arg4: memref<128x128x64xf32, #tpu.memory_space<hbm>>, %arg5: memref<8x128xi32, #tpu.memory_space<vmem>>, %arg6: memref<8x128x64xf32, #tpu.memory_space<vmem>>, %arg7: memref<!tpu.dma_semaphore, #tpu.memory_space<semaphore_mem>>, %arg8: memref<!tpu.dma_semaphore, #tpu.memory_space<semaphore_mem>>) attributes {dimension_semantics = [#tpu.dimension_semantics<core_parallel>, #tpu.dimension_semantics<subcore_parallel>], iteration_bounds = array<i64: 1, 16>, scalar_prefetch = 0 : i64, scratch_operands = 4 : i64, tpu.core_type = #tpu.core_type<sc_vector_subcore>, window_params = [{transform_indices = #map}, {transform_indices = #map}, {transform_indices = #map1}]} {
    %mul3A = arith.constant 1 : i32
    %mul3A_0 = arith.muli %arg1, %mul3A : i32
    %add3A = arith.addi %mul3A_0, %arg0 : i32
    %mul3A_1 = arith.constant 8 : i32
    %mul3A_2 = arith.muli %add3A, %mul3A_1 : i32
    "tpu.region"() ({
      %run_scoped3A = tpu.sem_alloc : memref<!tpu.dma_semaphore, #tpu.memory_space<semaphore_mem>>
      %dma_start3A_193 = arith.constant 0 : i32
      %dma_start3A_194 = tpu.memref_slice %arg3[%mul3A_2, %dma_start3A_193] : memref<128x128xi32, #tpu.memory_space<hbm>> -> memref<8x128xi32, #tpu.memory_space<hbm>>
      %dma_start3A_195 = arith.constant 0 : i32
      %dma_start3A_196 = tpu.memref_slice %arg3[%mul3A_2, %dma_start3A_195] : memref<128x128xi32, #tpu.memory_space<hbm>> -> memref<8x128xi32, #tpu.memory_space<hbm>>
      tpu.enqueue_dma source(%dma_start3A_196 : memref<8x128xi32, #tpu.memory_space<hbm>>) target(%arg5 : memref<8x128xi32, #tpu.memory_space<vmem>>) target_semaphore(%run_scoped3A : memref<!tpu.dma_semaphore, #tpu.memory_space<semaphore_mem>>)
      %dma_wait3A_197 = arith.constant 0 : i32
      %dma_wait3A_198 = tpu.memref_slice %arg3[%mul3A_2, %dma_wait3A_197] : memref<128x128xi32, #tpu.memory_space<hbm>> -> memref<8x128xi32, #tpu.memory_space<hbm>>
      %dma_wait3A_199 = arith.constant 0 : i32
      %dma_wait3A_200 = tpu.memref_slice %arg3[%mul3A_2, %dma_wait3A_199] : memref<128x128xi32, #tpu.memory_space<hbm>> -> memref<8x128xi32, #tpu.memory_space<hbm>>
      tpu.wait_dma2 semaphore(%run_scoped3A : memref<!tpu.dma_semaphore, #tpu.memory_space<semaphore_mem>>) src(%dma_wait3A_200 : memref<8x128xi32, #tpu.memory_space<hbm>>) dst(%arg5 : memref<8x128xi32, #tpu.memory_space<vmem>>)
      tpu.yield
    }) : () -> ()
    %dma_start3A = arith.constant 0 : i32
    %dma_start3A_3 = arith.constant 0 : i32
    %dma_start3A_4 = arith.constant 0 : i32
    %dma_start3A_5 = arith.constant 0 : i32
    %dma_start3A_6 = tpu.memref_slice %arg6[%dma_start3A_3, %dma_start3A_4, %dma_start3A_5] : memref<8x128x64xf32, #tpu.memory_space<vmem>> -> memref<1x128x64xf32, #tpu.memory_space<vmem>>
    %dma_start3A_7 = tpu.memref_squeeze %dma_start3A_6 : memref<1x128x64xf32, #tpu.memory_space<vmem>> -> memref<128x64xf32, #tpu.memory_space<vmem>>
    %dma_start3A_8 = arith.constant 0 : i32
    %dma_start3A_9 = tpu.memref_slice %arg5[%dma_start3A, %dma_start3A_8] : memref<8x128xi32, #tpu.memory_space<vmem>> -> memref<1x128xi32, #tpu.memory_space<vmem>>
    %dma_start3A_10 = tpu.memref_squeeze %dma_start3A_9 : memref<1x128xi32, #tpu.memory_space<vmem>> -> memref<128xi32, #tpu.memory_space<vmem>>
    %dma_start3A_11 = arith.constant 0 : i32
    %dma_start3A_12 = arith.constant 0 : i32
    %dma_start3A_13 = tpu.memref_slice %arg2[%dma_start3A_11, %dma_start3A_12] : memref<1024x64xf32, #tpu.memory_space<hbm>> -> memref<1024x64xf32, #tpu.memory_space<hbm>>
    tpu.enqueue_indirect_dma source(%dma_start3A_13 : memref<1024x64xf32, #tpu.memory_space<hbm>>) target(%dma_start3A_7 : memref<128x64xf32, #tpu.memory_space<vmem>>) offsets(%dma_start3A_10 : memref<128xi32, #tpu.memory_space<vmem>>) semaphore(%arg7 : memref<!tpu.dma_semaphore, #tpu.memory_space<semaphore_mem>>)
    %dma_start3A_14 = arith.constant 1 : i32
    %dma_start3A_15 = arith.constant 1 : i32
    %dma_start3A_16 = arith.constant 0 : i32
    %dma_start3A_17 = arith.constant 0 : i32
    %dma_start3A_18 = tpu.memref_slice %arg6[%dma_start3A_15, %dma_start3A_16, %dma_start3A_17] : memref<8x128x64xf32, #tpu.memory_space<vmem>> -> memref<1x128x64xf32, #tpu.memory_space<vmem>>
    %dma_start3A_19 = tpu.memref_squeeze %dma_start3A_18 : memref<1x128x64xf32, #tpu.memory_space<vmem>> -> memref<128x64xf32, #tpu.memory_space<vmem>>
    %dma_start3A_20 = arith.constant 0 : i32
    %dma_start3A_21 = tpu.memref_slice %arg5[%dma_start3A_14, %dma_start3A_20] : memref<8x128xi32, #tpu.memory_space<vmem>> -> memref<1x128xi32, #tpu.memory_space<vmem>>
    %dma_start3A_22 = tpu.memref_squeeze %dma_start3A_21 : memref<1x128xi32, #tpu.memory_space<vmem>> -> memref<128xi32, #tpu.memory_space<vmem>>
    %dma_start3A_23 = arith.constant 0 : i32
    %dma_start3A_24 = arith.constant 0 : i32
    %dma_start3A_25 = tpu.memref_slice %arg2[%dma_start3A_23, %dma_start3A_24] : memref<1024x64xf32, #tpu.memory_space<hbm>> -> memref<1024x64xf32, #tpu.memory_space<hbm>>
    tpu.enqueue_indirect_dma source(%dma_start3A_25 : memref<1024x64xf32, #tpu.memory_space<hbm>>) target(%dma_start3A_19 : memref<128x64xf32, #tpu.memory_space<vmem>>) offsets(%dma_start3A_22 : memref<128xi32, #tpu.memory_space<vmem>>) semaphore(%arg7 : memref<!tpu.dma_semaphore, #tpu.memory_space<semaphore_mem>>)
    %dma_start3A_26 = arith.constant 2 : i32
    %dma_start3A_27 = arith.constant 2 : i32
    %dma_start3A_28 = arith.constant 0 : i32
    %dma_start3A_29 = arith.constant 0 : i32
    %dma_start3A_30 = tpu.memref_slice %arg6[%dma_start3A_27, %dma_start3A_28, %dma_start3A_29] : memref<8x128x64xf32, #tpu.memory_space<vmem>> -> memref<1x128x64xf32, #tpu.memory_space<vmem>>
    %dma_start3A_31 = tpu.memref_squeeze %dma_start3A_30 : memref<1x128x64xf32, #tpu.memory_space<vmem>> -> memref<128x64xf32, #tpu.memory_space<vmem>>
    %dma_start3A_32 = arith.constant 0 : i32
    %dma_start3A_33 = tpu.memref_slice %arg5[%dma_start3A_26, %dma_start3A_32] : memref<8x128xi32, #tpu.memory_space<vmem>> -> memref<1x128xi32, #tpu.memory_space<vmem>>
    %dma_start3A_34 = tpu.memref_squeeze %dma_start3A_33 : memref<1x128xi32, #tpu.memory_space<vmem>> -> memref<128xi32, #tpu.memory_space<vmem>>
    %dma_start3A_35 = arith.constant 0 : i32
    %dma_start3A_36 = arith.constant 0 : i32
    %dma_start3A_37 = tpu.memref_slice %arg2[%dma_start3A_35, %dma_start3A_36] : memref<1024x64xf32, #tpu.memory_space<hbm>> -> memref<1024x64xf32, #tpu.memory_space<hbm>>
    tpu.enqueue_indirect_dma source(%dma_start3A_37 : memref<1024x64xf32, #tpu.memory_space<hbm>>) target(%dma_start3A_31 : memref<128x64xf32, #tpu.memory_space<vmem>>) offsets(%dma_start3A_34 : memref<128xi32, #tpu.memory_space<vmem>>) semaphore(%arg7 : memref<!tpu.dma_semaphore, #tpu.memory_space<semaphore_mem>>)
    %dma_start3A_38 = arith.constant 3 : i32
    %dma_start3A_39 = arith.constant 3 : i32
    %dma_start3A_40 = arith.constant 0 : i32
    %dma_start3A_41 = arith.constant 0 : i32
    %dma_start3A_42 = tpu.memref_slice %arg6[%dma_start3A_39, %dma_start3A_40, %dma_start3A_41] : memref<8x128x64xf32, #tpu.memory_space<vmem>> -> memref<1x128x64xf32, #tpu.memory_space<vmem>>
    %dma_start3A_43 = tpu.memref_squeeze %dma_start3A_42 : memref<1x128x64xf32, #tpu.memory_space<vmem>> -> memref<128x64xf32, #tpu.memory_space<vmem>>
    %dma_start3A_44 = arith.constant 0 : i32
    %dma_start3A_45 = tpu.memref_slice %arg5[%dma_start3A_38, %dma_start3A_44] : memref<8x128xi32, #tpu.memory_space<vmem>> -> memref<1x128xi32, #tpu.memory_space<vmem>>
    %dma_start3A_46 = tpu.memref_squeeze %dma_start3A_45 : memref<1x128xi32, #tpu.memory_space<vmem>> -> memref<128xi32, #tpu.memory_space<vmem>>
    %dma_start3A_47 = arith.constant 0 : i32
    %dma_start3A_48 = arith.constant 0 : i32
    %dma_start3A_49 = tpu.memref_slice %arg2[%dma_start3A_47, %dma_start3A_48] : memref<1024x64xf32, #tpu.memory_space<hbm>> -> memref<1024x64xf32, #tpu.memory_space<hbm>>
    tpu.enqueue_indirect_dma source(%dma_start3A_49 : memref<1024x64xf32, #tpu.memory_space<hbm>>) target(%dma_start3A_43 : memref<128x64xf32, #tpu.memory_space<vmem>>) offsets(%dma_start3A_46 : memref<128xi32, #tpu.memory_space<vmem>>) semaphore(%arg7 : memref<!tpu.dma_semaphore, #tpu.memory_space<semaphore_mem>>)
    %dma_start3A_50 = arith.constant 4 : i32
    %dma_start3A_51 = arith.constant 4 : i32
    %dma_start3A_52 = arith.constant 0 : i32
    %dma_start3A_53 = arith.constant 0 : i32
    %dma_start3A_54 = tpu.memref_slice %arg6[%dma_start3A_51, %dma_start3A_52, %dma_start3A_53] : memref<8x128x64xf32, #tpu.memory_space<vmem>> -> memref<1x128x64xf32, #tpu.memory_space<vmem>>
    %dma_start3A_55 = tpu.memref_squeeze %dma_start3A_54 : memref<1x128x64xf32, #tpu.memory_space<vmem>> -> memref<128x64xf32, #tpu.memory_space<vmem>>
    %dma_start3A_56 = arith.constant 0 : i32
    %dma_start3A_57 = tpu.memref_slice %arg5[%dma_start3A_50, %dma_start3A_56] : memref<8x128xi32, #tpu.memory_space<vmem>> -> memref<1x128xi32, #tpu.memory_space<vmem>>
    %dma_start3A_58 = tpu.memref_squeeze %dma_start3A_57 : memref<1x128xi32, #tpu.memory_space<vmem>> -> memref<128xi32, #tpu.memory_space<vmem>>
    %dma_start3A_59 = arith.constant 0 : i32
    %dma_start3A_60 = arith.constant 0 : i32
    %dma_start3A_61 = tpu.memref_slice %arg2[%dma_start3A_59, %dma_start3A_60] : memref<1024x64xf32, #tpu.memory_space<hbm>> -> memref<1024x64xf32, #tpu.memory_space<hbm>>
    tpu.enqueue_indirect_dma source(%dma_start3A_61 : memref<1024x64xf32, #tpu.memory_space<hbm>>) target(%dma_start3A_55 : memref<128x64xf32, #tpu.memory_space<vmem>>) offsets(%dma_start3A_58 : memref<128xi32, #tpu.memory_space<vmem>>) semaphore(%arg7 : memref<!tpu.dma_semaphore, #tpu.memory_space<semaphore_mem>>)
    %dma_start3A_62 = arith.constant 5 : i32
    %dma_start3A_63 = arith.constant 5 : i32
    %dma_start3A_64 = arith.constant 0 : i32
    %dma_start3A_65 = arith.constant 0 : i32
    %dma_start3A_66 = tpu.memref_slice %arg6[%dma_start3A_63, %dma_start3A_64, %dma_start3A_65] : memref<8x128x64xf32, #tpu.memory_space<vmem>> -> memref<1x128x64xf32, #tpu.memory_space<vmem>>
    %dma_start3A_67 = tpu.memref_squeeze %dma_start3A_66 : memref<1x128x64xf32, #tpu.memory_space<vmem>> -> memref<128x64xf32, #tpu.memory_space<vmem>>
    %dma_start3A_68 = arith.constant 0 : i32
    %dma_start3A_69 = tpu.memref_slice %arg5[%dma_start3A_62, %dma_start3A_68] : memref<8x128xi32, #tpu.memory_space<vmem>> -> memref<1x128xi32, #tpu.memory_space<vmem>>
    %dma_start3A_70 = tpu.memref_squeeze %dma_start3A_69 : memref<1x128xi32, #tpu.memory_space<vmem>> -> memref<128xi32, #tpu.memory_space<vmem>>
    %dma_start3A_71 = arith.constant 0 : i32
    %dma_start3A_72 = arith.constant 0 : i32
    %dma_start3A_73 = tpu.memref_slice %arg2[%dma_start3A_71, %dma_start3A_72] : memref<1024x64xf32, #tpu.memory_space<hbm>> -> memref<1024x64xf32, #tpu.memory_space<hbm>>
    tpu.enqueue_indirect_dma source(%dma_start3A_73 : memref<1024x64xf32, #tpu.memory_space<hbm>>) target(%dma_start3A_67 : memref<128x64xf32, #tpu.memory_space<vmem>>) offsets(%dma_start3A_70 : memref<128xi32, #tpu.memory_space<vmem>>) semaphore(%arg7 : memref<!tpu.dma_semaphore, #tpu.memory_space<semaphore_mem>>)
    %dma_start3A_74 = arith.constant 6 : i32
    %dma_start3A_75 = arith.constant 6 : i32
    %dma_start3A_76 = arith.constant 0 : i32
    %dma_start3A_77 = arith.constant 0 : i32
    %dma_start3A_78 = tpu.memref_slice %arg6[%dma_start3A_75, %dma_start3A_76, %dma_start3A_77] : memref<8x128x64xf32, #tpu.memory_space<vmem>> -> memref<1x128x64xf32, #tpu.memory_space<vmem>>
    %dma_start3A_79 = tpu.memref_squeeze %dma_start3A_78 : memref<1x128x64xf32, #tpu.memory_space<vmem>> -> memref<128x64xf32, #tpu.memory_space<vmem>>
    %dma_start3A_80 = arith.constant 0 : i32
    %dma_start3A_81 = tpu.memref_slice %arg5[%dma_start3A_74, %dma_start3A_80] : memref<8x128xi32, #tpu.memory_space<vmem>> -> memref<1x128xi32, #tpu.memory_space<vmem>>
    %dma_start3A_82 = tpu.memref_squeeze %dma_start3A_81 : memref<1x128xi32, #tpu.memory_space<vmem>> -> memref<128xi32, #tpu.memory_space<vmem>>
    %dma_start3A_83 = arith.constant 0 : i32
    %dma_start3A_84 = arith.constant 0 : i32
    %dma_start3A_85 = tpu.memref_slice %arg2[%dma_start3A_83, %dma_start3A_84] : memref<1024x64xf32, #tpu.memory_space<hbm>> -> memref<1024x64xf32, #tpu.memory_space<hbm>>
    tpu.enqueue_indirect_dma source(%dma_start3A_85 : memref<1024x64xf32, #tpu.memory_space<hbm>>) target(%dma_start3A_79 : memref<128x64xf32, #tpu.memory_space<vmem>>) offsets(%dma_start3A_82 : memref<128xi32, #tpu.memory_space<vmem>>) semaphore(%arg7 : memref<!tpu.dma_semaphore, #tpu.memory_space<semaphore_mem>>)
    %dma_start3A_86 = arith.constant 7 : i32
    %dma_start3A_87 = arith.constant 7 : i32
    %dma_start3A_88 = arith.constant 0 : i32
    %dma_start3A_89 = arith.constant 0 : i32
    %dma_start3A_90 = tpu.memref_slice %arg6[%dma_start3A_87, %dma_start3A_88, %dma_start3A_89] : memref<8x128x64xf32, #tpu.memory_space<vmem>> -> memref<1x128x64xf32, #tpu.memory_space<vmem>>
    %dma_start3A_91 = tpu.memref_squeeze %dma_start3A_90 : memref<1x128x64xf32, #tpu.memory_space<vmem>> -> memref<128x64xf32, #tpu.memory_space<vmem>>
    %dma_start3A_92 = arith.constant 0 : i32
    %dma_start3A_93 = tpu.memref_slice %arg5[%dma_start3A_86, %dma_start3A_92] : memref<8x128xi32, #tpu.memory_space<vmem>> -> memref<1x128xi32, #tpu.memory_space<vmem>>
    %dma_start3A_94 = tpu.memref_squeeze %dma_start3A_93 : memref<1x128xi32, #tpu.memory_space<vmem>> -> memref<128xi32, #tpu.memory_space<vmem>>
    %dma_start3A_95 = arith.constant 0 : i32
    %dma_start3A_96 = arith.constant 0 : i32
    %dma_start3A_97 = tpu.memref_slice %arg2[%dma_start3A_95, %dma_start3A_96] : memref<1024x64xf32, #tpu.memory_space<hbm>> -> memref<1024x64xf32, #tpu.memory_space<hbm>>
    tpu.enqueue_indirect_dma source(%dma_start3A_97 : memref<1024x64xf32, #tpu.memory_space<hbm>>) target(%dma_start3A_91 : memref<128x64xf32, #tpu.memory_space<vmem>>) offsets(%dma_start3A_94 : memref<128xi32, #tpu.memory_space<vmem>>) semaphore(%arg7 : memref<!tpu.dma_semaphore, #tpu.memory_space<semaphore_mem>>)
    %dma_wait3A = arith.constant 0 : i32
    %dma_wait3A_98 = arith.constant 0 : i32
    %dma_wait3A_99 = arith.constant 0 : i32
    %dma_wait3A_100 = arith.constant 0 : i32
    %dma_wait3A_101 = tpu.memref_slice %arg6[%dma_wait3A_98, %dma_wait3A_99, %dma_wait3A_100] : memref<8x128x64xf32, #tpu.memory_space<vmem>> -> memref<1x128x64xf32, #tpu.memory_space<vmem>>
    %dma_wait3A_102 = tpu.memref_squeeze %dma_wait3A_101 : memref<1x128x64xf32, #tpu.memory_space<vmem>> -> memref<128x64xf32, #tpu.memory_space<vmem>>
    %dma_wait3A_103 = arith.constant 0 : i32
    %dma_wait3A_104 = tpu.memref_slice %arg5[%dma_wait3A, %dma_wait3A_103] : memref<8x128xi32, #tpu.memory_space<vmem>> -> memref<1x128xi32, #tpu.memory_space<vmem>>
    %dma_wait3A_105 = tpu.memref_squeeze %dma_wait3A_104 : memref<1x128xi32, #tpu.memory_space<vmem>> -> memref<128xi32, #tpu.memory_space<vmem>>
    %dma_wait3A_106 = arith.constant 0 : i32
    %dma_wait3A_107 = arith.constant 0 : i32
    %dma_wait3A_108 = tpu.memref_slice %arg2[%dma_wait3A_106, %dma_wait3A_107] : memref<1024x64xf32, #tpu.memory_space<hbm>> -> memref<1024x64xf32, #tpu.memory_space<hbm>>
    tpu.wait_indirect_dma semaphore(%arg7 : memref<!tpu.dma_semaphore, #tpu.memory_space<semaphore_mem>>) src(%dma_wait3A_108 : memref<1024x64xf32, #tpu.memory_space<hbm>>) dst(%dma_wait3A_102 : memref<128x64xf32, #tpu.memory_space<vmem>>)
    %dma_wait3A_109 = arith.constant 1 : i32
    %dma_wait3A_110 = arith.constant 1 : i32
    %dma_wait3A_111 = arith.constant 0 : i32
    %dma_wait3A_112 = arith.constant 0 : i32
    %dma_wait3A_113 = tpu.memref_slice %arg6[%dma_wait3A_110, %dma_wait3A_111, %dma_wait3A_112] : memref<8x128x64xf32, #tpu.memory_space<vmem>> -> memref<1x128x64xf32, #tpu.memory_space<vmem>>
    %dma_wait3A_114 = tpu.memref_squeeze %dma_wait3A_113 : memref<1x128x64xf32, #tpu.memory_space<vmem>> -> memref<128x64xf32, #tpu.memory_space<vmem>>
    %dma_wait3A_115 = arith.constant 0 : i32
    %dma_wait3A_116 = tpu.memref_slice %arg5[%dma_wait3A_109, %dma_wait3A_115] : memref<8x128xi32, #tpu.memory_space<vmem>> -> memref<1x128xi32, #tpu.memory_space<vmem>>
    %dma_wait3A_117 = tpu.memref_squeeze %dma_wait3A_116 : memref<1x128xi32, #tpu.memory_space<vmem>> -> memref<128xi32, #tpu.memory_space<vmem>>
    %dma_wait3A_118 = arith.constant 0 : i32
    %dma_wait3A_119 = arith.constant 0 : i32
    %dma_wait3A_120 = tpu.memref_slice %arg2[%dma_wait3A_118, %dma_wait3A_119] : memref<1024x64xf32, #tpu.memory_space<hbm>> -> memref<1024x64xf32, #tpu.memory_space<hbm>>
    tpu.wait_indirect_dma semaphore(%arg7 : memref<!tpu.dma_semaphore, #tpu.memory_space<semaphore_mem>>) src(%dma_wait3A_120 : memref<1024x64xf32, #tpu.memory_space<hbm>>) dst(%dma_wait3A_114 : memref<128x64xf32, #tpu.memory_space<vmem>>)
    %dma_wait3A_121 = arith.constant 2 : i32
    %dma_wait3A_122 = arith.constant 2 : i32
    %dma_wait3A_123 = arith.constant 0 : i32
    %dma_wait3A_124 = arith.constant 0 : i32
    %dma_wait3A_125 = tpu.memref_slice %arg6[%dma_wait3A_122, %dma_wait3A_123, %dma_wait3A_124] : memref<8x128x64xf32, #tpu.memory_space<vmem>> -> memref<1x128x64xf32, #tpu.memory_space<vmem>>
    %dma_wait3A_126 = tpu.memref_squeeze %dma_wait3A_125 : memref<1x128x64xf32, #tpu.memory_space<vmem>> -> memref<128x64xf32, #tpu.memory_space<vmem>>
    %dma_wait3A_127 = arith.constant 0 : i32
    %dma_wait3A_128 = tpu.memref_slice %arg5[%dma_wait3A_121, %dma_wait3A_127] : memref<8x128xi32, #tpu.memory_space<vmem>> -> memref<1x128xi32, #tpu.memory_space<vmem>>
    %dma_wait3A_129 = tpu.memref_squeeze %dma_wait3A_128 : memref<1x128xi32, #tpu.memory_space<vmem>> -> memref<128xi32, #tpu.memory_space<vmem>>
    %dma_wait3A_130 = arith.constant 0 : i32
    %dma_wait3A_131 = arith.constant 0 : i32
    %dma_wait3A_132 = tpu.memref_slice %arg2[%dma_wait3A_130, %dma_wait3A_131] : memref<1024x64xf32, #tpu.memory_space<hbm>> -> memref<1024x64xf32, #tpu.memory_space<hbm>>
    tpu.wait_indirect_dma semaphore(%arg7 : memref<!tpu.dma_semaphore, #tpu.memory_space<semaphore_mem>>) src(%dma_wait3A_132 : memref<1024x64xf32, #tpu.memory_space<hbm>>) dst(%dma_wait3A_126 : memref<128x64xf32, #tpu.memory_space<vmem>>)
    %dma_wait3A_133 = arith.constant 3 : i32
    %dma_wait3A_134 = arith.constant 3 : i32
    %dma_wait3A_135 = arith.constant 0 : i32
    %dma_wait3A_136 = arith.constant 0 : i32
    %dma_wait3A_137 = tpu.memref_slice %arg6[%dma_wait3A_134, %dma_wait3A_135, %dma_wait3A_136] : memref<8x128x64xf32, #tpu.memory_space<vmem>> -> memref<1x128x64xf32, #tpu.memory_space<vmem>>
    %dma_wait3A_138 = tpu.memref_squeeze %dma_wait3A_137 : memref<1x128x64xf32, #tpu.memory_space<vmem>> -> memref<128x64xf32, #tpu.memory_space<vmem>>
    %dma_wait3A_139 = arith.constant 0 : i32
    %dma_wait3A_140 = tpu.memref_slice %arg5[%dma_wait3A_133, %dma_wait3A_139] : memref<8x128xi32, #tpu.memory_space<vmem>> -> memref<1x128xi32, #tpu.memory_space<vmem>>
    %dma_wait3A_141 = tpu.memref_squeeze %dma_wait3A_140 : memref<1x128xi32, #tpu.memory_space<vmem>> -> memref<128xi32, #tpu.memory_space<vmem>>
    %dma_wait3A_142 = arith.constant 0 : i32
    %dma_wait3A_143 = arith.constant 0 : i32
    %dma_wait3A_144 = tpu.memref_slice %arg2[%dma_wait3A_142, %dma_wait3A_143] : memref<1024x64xf32, #tpu.memory_space<hbm>> -> memref<1024x64xf32, #tpu.memory_space<hbm>>
    tpu.wait_indirect_dma semaphore(%arg7 : memref<!tpu.dma_semaphore, #tpu.memory_space<semaphore_mem>>) src(%dma_wait3A_144 : memref<1024x64xf32, #tpu.memory_space<hbm>>) dst(%dma_wait3A_138 : memref<128x64xf32, #tpu.memory_space<vmem>>)
    %dma_wait3A_145 = arith.constant 4 : i32
    %dma_wait3A_146 = arith.constant 4 : i32
    %dma_wait3A_147 = arith.constant 0 : i32
    %dma_wait3A_148 = arith.constant 0 : i32
    %dma_wait3A_149 = tpu.memref_slice %arg6[%dma_wait3A_146, %dma_wait3A_147, %dma_wait3A_148] : memref<8x128x64xf32, #tpu.memory_space<vmem>> -> memref<1x128x64xf32, #tpu.memory_space<vmem>>
    %dma_wait3A_150 = tpu.memref_squeeze %dma_wait3A_149 : memref<1x128x64xf32, #tpu.memory_space<vmem>> -> memref<128x64xf32, #tpu.memory_space<vmem>>
    %dma_wait3A_151 = arith.constant 0 : i32
    %dma_wait3A_152 = tpu.memref_slice %arg5[%dma_wait3A_145, %dma_wait3A_151] : memref<8x128xi32, #tpu.memory_space<vmem>> -> memref<1x128xi32, #tpu.memory_space<vmem>>
    %dma_wait3A_153 = tpu.memref_squeeze %dma_wait3A_152 : memref<1x128xi32, #tpu.memory_space<vmem>> -> memref<128xi32, #tpu.memory_space<vmem>>
    %dma_wait3A_154 = arith.constant 0 : i32
    %dma_wait3A_155 = arith.constant 0 : i32
    %dma_wait3A_156 = tpu.memref_slice %arg2[%dma_wait3A_154, %dma_wait3A_155] : memref<1024x64xf32, #tpu.memory_space<hbm>> -> memref<1024x64xf32, #tpu.memory_space<hbm>>
    tpu.wait_indirect_dma semaphore(%arg7 : memref<!tpu.dma_semaphore, #tpu.memory_space<semaphore_mem>>) src(%dma_wait3A_156 : memref<1024x64xf32, #tpu.memory_space<hbm>>) dst(%dma_wait3A_150 : memref<128x64xf32, #tpu.memory_space<vmem>>)
    %dma_wait3A_157 = arith.constant 5 : i32
    %dma_wait3A_158 = arith.constant 5 : i32
    %dma_wait3A_159 = arith.constant 0 : i32
    %dma_wait3A_160 = arith.constant 0 : i32
    %dma_wait3A_161 = tpu.memref_slice %arg6[%dma_wait3A_158, %dma_wait3A_159, %dma_wait3A_160] : memref<8x128x64xf32, #tpu.memory_space<vmem>> -> memref<1x128x64xf32, #tpu.memory_space<vmem>>
    %dma_wait3A_162 = tpu.memref_squeeze %dma_wait3A_161 : memref<1x128x64xf32, #tpu.memory_space<vmem>> -> memref<128x64xf32, #tpu.memory_space<vmem>>
    %dma_wait3A_163 = arith.constant 0 : i32
    %dma_wait3A_164 = tpu.memref_slice %arg5[%dma_wait3A_157, %dma_wait3A_163] : memref<8x128xi32, #tpu.memory_space<vmem>> -> memref<1x128xi32, #tpu.memory_space<vmem>>
    %dma_wait3A_165 = tpu.memref_squeeze %dma_wait3A_164 : memref<1x128xi32, #tpu.memory_space<vmem>> -> memref<128xi32, #tpu.memory_space<vmem>>
    %dma_wait3A_166 = arith.constant 0 : i32
    %dma_wait3A_167 = arith.constant 0 : i32
    %dma_wait3A_168 = tpu.memref_slice %arg2[%dma_wait3A_166, %dma_wait3A_167] : memref<1024x64xf32, #tpu.memory_space<hbm>> -> memref<1024x64xf32, #tpu.memory_space<hbm>>
    tpu.wait_indirect_dma semaphore(%arg7 : memref<!tpu.dma_semaphore, #tpu.memory_space<semaphore_mem>>) src(%dma_wait3A_168 : memref<1024x64xf32, #tpu.memory_space<hbm>>) dst(%dma_wait3A_162 : memref<128x64xf32, #tpu.memory_space<vmem>>)
    %dma_wait3A_169 = arith.constant 6 : i32
    %dma_wait3A_170 = arith.constant 6 : i32
    %dma_wait3A_171 = arith.constant 0 : i32
    %dma_wait3A_172 = arith.constant 0 : i32
    %dma_wait3A_173 = tpu.memref_slice %arg6[%dma_wait3A_170, %dma_wait3A_171, %dma_wait3A_172] : memref<8x128x64xf32, #tpu.memory_space<vmem>> -> memref<1x128x64xf32, #tpu.memory_space<vmem>>
    %dma_wait3A_174 = tpu.memref_squeeze %dma_wait3A_173 : memref<1x128x64xf32, #tpu.memory_space<vmem>> -> memref<128x64xf32, #tpu.memory_space<vmem>>
    %dma_wait3A_175 = arith.constant 0 : i32
    %dma_wait3A_176 = tpu.memref_slice %arg5[%dma_wait3A_169, %dma_wait3A_175] : memref<8x128xi32, #tpu.memory_space<vmem>> -> memref<1x128xi32, #tpu.memory_space<vmem>>
    %dma_wait3A_177 = tpu.memref_squeeze %dma_wait3A_176 : memref<1x128xi32, #tpu.memory_space<vmem>> -> memref<128xi32, #tpu.memory_space<vmem>>
    %dma_wait3A_178 = arith.constant 0 : i32
    %dma_wait3A_179 = arith.constant 0 : i32
    %dma_wait3A_180 = tpu.memref_slice %arg2[%dma_wait3A_178, %dma_wait3A_179] : memref<1024x64xf32, #tpu.memory_space<hbm>> -> memref<1024x64xf32, #tpu.memory_space<hbm>>
    tpu.wait_indirect_dma semaphore(%arg7 : memref<!tpu.dma_semaphore, #tpu.memory_space<semaphore_mem>>) src(%dma_wait3A_180 : memref<1024x64xf32, #tpu.memory_space<hbm>>) dst(%dma_wait3A_174 : memref<128x64xf32, #tpu.memory_space<vmem>>)
    %dma_wait3A_181 = arith.constant 7 : i32
    %dma_wait3A_182 = arith.constant 7 : i32
    %dma_wait3A_183 = arith.constant 0 : i32
    %dma_wait3A_184 = arith.constant 0 : i32
    %dma_wait3A_185 = tpu.memref_slice %arg6[%dma_wait3A_182, %dma_wait3A_183, %dma_wait3A_184] : memref<8x128x64xf32, #tpu.memory_space<vmem>> -> memref<1x128x64xf32, #tpu.memory_space<vmem>>
    %dma_wait3A_186 = tpu.memref_squeeze %dma_wait3A_185 : memref<1x128x64xf32, #tpu.memory_space<vmem>> -> memref<128x64xf32, #tpu.memory_space<vmem>>
    %dma_wait3A_187 = arith.constant 0 : i32
    %dma_wait3A_188 = tpu.memref_slice %arg5[%dma_wait3A_181, %dma_wait3A_187] : memref<8x128xi32, #tpu.memory_space<vmem>> -> memref<1x128xi32, #tpu.memory_space<vmem>>
    %dma_wait3A_189 = tpu.memref_squeeze %dma_wait3A_188 : memref<1x128xi32, #tpu.memory_space<vmem>> -> memref<128xi32, #tpu.memory_space<vmem>>
    %dma_wait3A_190 = arith.constant 0 : i32
    %dma_wait3A_191 = arith.constant 0 : i32
    %dma_wait3A_192 = tpu.memref_slice %arg2[%dma_wait3A_190, %dma_wait3A_191] : memref<1024x64xf32, #tpu.memory_space<hbm>> -> memref<1024x64xf32, #tpu.memory_space<hbm>>
    tpu.wait_indirect_dma semaphore(%arg7 : memref<!tpu.dma_semaphore, #tpu.memory_space<semaphore_mem>>) src(%dma_wait3A_192 : memref<1024x64xf32, #tpu.memory_space<hbm>>) dst(%dma_wait3A_186 : memref<128x64xf32, #tpu.memory_space<vmem>>)
    "tpu.region"() ({
      %run_scoped3A = tpu.sem_alloc : memref<!tpu.dma_semaphore, #tpu.memory_space<semaphore_mem>>
      %dma_start3A_193 = arith.constant 0 : i32
      %dma_start3A_194 = arith.constant 0 : i32
      %dma_start3A_195 = tpu.memref_slice %arg4[%mul3A_2, %dma_start3A_193, %dma_start3A_194] : memref<128x128x64xf32, #tpu.memory_space<hbm>> -> memref<8x128x64xf32, #tpu.memory_space<hbm>>
      %dma_start3A_196 = arith.constant 0 : i32
      %dma_start3A_197 = arith.constant 0 : i32
      %dma_start3A_198 = tpu.memref_slice %arg4[%mul3A_2, %dma_start3A_196, %dma_start3A_197] : memref<128x128x64xf32, #tpu.memory_space<hbm>> -> memref<8x128x64xf32, #tpu.memory_space<hbm>>
      tpu.enqueue_dma source(%arg6 : memref<8x128x64xf32, #tpu.memory_space<vmem>>) target(%dma_start3A_198 : memref<8x128x64xf32, #tpu.memory_space<hbm>>) target_semaphore(%run_scoped3A : memref<!tpu.dma_semaphore, #tpu.memory_space<semaphore_mem>>)
      %dma_wait3A_199 = arith.constant 0 : i32
      %dma_wait3A_200 = arith.constant 0 : i32
      %dma_wait3A_201 = tpu.memref_slice %arg4[%mul3A_2, %dma_wait3A_199, %dma_wait3A_200] : memref<128x128x64xf32, #tpu.memory_space<hbm>> -> memref<8x128x64xf32, #tpu.memory_space<hbm>>
      %dma_wait3A_202 = arith.constant 0 : i32
      %dma_wait3A_203 = arith.constant 0 : i32
      %dma_wait3A_204 = tpu.memref_slice %arg4[%mul3A_2, %dma_wait3A_202, %dma_wait3A_203] : memref<128x128x64xf32, #tpu.memory_space<hbm>> -> memref<8x128x64xf32, #tpu.memory_space<hbm>>
      tpu.wait_dma2 semaphore(%run_scoped3A : memref<!tpu.dma_semaphore, #tpu.memory_space<semaphore_mem>>) src(%arg6 : memref<8x128x64xf32, #tpu.memory_space<vmem>>) dst(%dma_wait3A_204 : memref<8x128x64xf32, #tpu.memory_space<hbm>>)
      tpu.yield
    }) : () -> ()
    return
  }
}

module attributes {stable_mosaic.version = 14 : i64} {
  func.func @_argmin_body(%arg0: i32, %arg1: memref<4x32x32x64xf32, #tpu.memory_space<vmem>>, %arg2: memref<64x1024xf32, #tpu.memory_space<vmem>>, %arg3: memref<32x128xi32, #tpu.memory_space<vmem>>, %arg4: memref<1x1xf32, #tpu.memory_space<smem>>, %arg5: memref<1xf32, #tpu.memory_space<smem>>) attributes {dimension_semantics = [#tpu.dimension_semantics<arbitrary>], iteration_bounds = array<i64: 4>, scalar_prefetch = 0 : i64, scratch_operands = 1 : i64, tpu.core_type = #tpu.core_type<tc>, window_params = [{transform_indices = @transform_0, window_bounds = array<i64: 4, 32, 32, 64>}, {pipeline_mode = #tpu.pipeline_mode<synchronous>, transform_indices = @transform_1, window_bounds = array<i64: 64, 1024>}, {transform_indices = @transform_2, window_bounds = array<i64: 32, 128>}, {transform_indices = @transform_3, window_bounds = array<i64: 1, 1>}]} {
    %get3A = arith.constant 0 : index
    %get3A_0 = arith.constant 0 : index
    %get3A_1 = arith.constant 0 : index
    %get3A_2 = arith.constant 0 : index
    %get3A_3 = vector.load %arg1[%get3A, %get3A_0, %get3A_1, %get3A_2] : memref<4x32x32x64xf32, #tpu.memory_space<vmem>>, vector<4x32x32x64xf32>
    %reshape3A = vector.shape_cast %get3A_3 : vector<4x32x32x64xf32> to vector<4096x64xf32>
    %get3A_4 = arith.constant 0 : index
    %get3A_5 = arith.constant 0 : index
    %get3A_6 = vector.load %arg2[%get3A_4, %get3A_5] : memref<64x1024xf32, #tpu.memory_space<vmem>>, vector<64x1024xf32>
    %mul3A = arith.mulf %reshape3A, %reshape3A : vector<4096x64xf32>
    %reduce_sum3A = arith.constant dense<0.000000e+00> : vector<4096xf32>
    %reduce_sum3A_7 = vector.multi_reduction <add>, %mul3A, %reduce_sum3A [1] : vector<4096x64xf32> to vector<4096xf32>
    %broadcast_in_dim3A = vector.shape_cast %reduce_sum3A_7 : vector<4096xf32> to vector<4096x1xf32>
    %mul3A_8 = arith.mulf %get3A_6, %get3A_6 : vector<64x1024xf32>
    %reduce_sum3A_9 = arith.constant dense<0.000000e+00> : vector<1024xf32>
    %reduce_sum3A_10 = vector.multi_reduction <add>, %mul3A_8, %reduce_sum3A_9 [0] : vector<64x1024xf32> to vector<1024xf32>
    %broadcast_in_dim3A_11 = vector.shape_cast %reduce_sum3A_10 : vector<1024xf32> to vector<1x1024xf32>
    %add3A = arith.addf %reshape3A, %reshape3A : vector<4096x64xf32>
    %dot_general3A = arith.constant dense<0.000000e+00> : vector<4096x1024xf32>
    %dot_general3A_12 = tpu.matmul %add3A, %get3A_6, %dot_general3A {dimension_numbers = #tpu.dot_dimension_numbers<[1], [0], [0], [1], [0, 0, 1, 1], [], []>, transpose_lhs_hint = false} : vector<4096x64xf32>, vector<64x1024xf32>, vector<4096x1024xf32> -> vector<4096x1024xf32>
    %iota3A = tpu.iota {dimensions = array<i32: 1>} : vector<4096x256xi32>
    %convert_element_type3A = arith.sitofp %iota3A : vector<4096x256xi32> to vector<4096x256xf32>
    %slice3A = vector.extract_strided_slice %broadcast_in_dim3A_11 {offsets = [0, 0], sizes = [1, 256], strides = [1, 1]} : vector<1x1024xf32> to vector<1x256xf32>
    %add3A_13 = vector.broadcast %broadcast_in_dim3A : vector<4096x1xf32> to vector<4096x256xf32>
    %add3A_14 = vector.broadcast %slice3A : vector<1x256xf32> to vector<4096x256xf32>
    %add3A_15 = arith.addf %add3A_13, %add3A_14 : vector<4096x256xf32>
    %slice3A_16 = vector.extract_strided_slice %dot_general3A_12 {offsets = [0, 0], sizes = [4096, 256], strides = [1, 1]} : vector<4096x1024xf32> to vector<4096x256xf32>
    %sub3A = arith.subf %add3A_15, %slice3A_16 : vector<4096x256xf32>
    %slice3A_17 = vector.extract_strided_slice %broadcast_in_dim3A_11 {offsets = [0, 256], sizes = [1, 256], strides = [1, 1]} : vector<1x1024xf32> to vector<1x256xf32>
    %add3A_18 = vector.broadcast %broadcast_in_dim3A : vector<4096x1xf32> to vector<4096x256xf32>
    %add3A_19 = vector.broadcast %slice3A_17 : vector<1x256xf32> to vector<4096x256xf32>
    %add3A_20 = arith.addf %add3A_18, %add3A_19 : vector<4096x256xf32>
    %slice3A_21 = vector.extract_strided_slice %dot_general3A_12 {offsets = [0, 256], sizes = [4096, 256], strides = [1, 1]} : vector<4096x1024xf32> to vector<4096x256xf32>
    %sub3A_22 = arith.subf %add3A_20, %slice3A_21 : vector<4096x256xf32>
    %lt3A = arith.cmpf olt, %sub3A_22, %sub3A : vector<4096x256xf32>
    %select_n3A = arith.select %lt3A, %sub3A_22, %sub3A : vector<4096x256xi1>, vector<4096x256xf32>
    %add3A_23 = arith.constant 2.560000e+02 : f32
    %add3A_24 = vector.broadcast %add3A_23 : f32 to vector<4096x256xf32>
    %add3A_25 = arith.addf %convert_element_type3A, %add3A_24 : vector<4096x256xf32>
    %select_n3A_26 = arith.select %lt3A, %add3A_25, %convert_element_type3A : vector<4096x256xi1>, vector<4096x256xf32>
    %slice3A_27 = vector.extract_strided_slice %broadcast_in_dim3A_11 {offsets = [0, 512], sizes = [1, 256], strides = [1, 1]} : vector<1x1024xf32> to vector<1x256xf32>
    %add3A_28 = vector.broadcast %broadcast_in_dim3A : vector<4096x1xf32> to vector<4096x256xf32>
    %add3A_29 = vector.broadcast %slice3A_27 : vector<1x256xf32> to vector<4096x256xf32>
    %add3A_30 = arith.addf %add3A_28, %add3A_29 : vector<4096x256xf32>
    %slice3A_31 = vector.extract_strided_slice %dot_general3A_12 {offsets = [0, 512], sizes = [4096, 256], strides = [1, 1]} : vector<4096x1024xf32> to vector<4096x256xf32>
    %sub3A_32 = arith.subf %add3A_30, %slice3A_31 : vector<4096x256xf32>
    %lt3A_33 = arith.cmpf olt, %sub3A_32, %select_n3A : vector<4096x256xf32>
    %select_n3A_34 = arith.select %lt3A_33, %sub3A_32, %select_n3A : vector<4096x256xi1>, vector<4096x256xf32>
    %add3A_35 = arith.constant 5.120000e+02 : f32
    %add3A_36 = vector.broadcast %add3A_35 : f32 to vector<4096x256xf32>
    %add3A_37 = arith.addf %convert_element_type3A, %add3A_36 : vector<4096x256xf32>
    %select_n3A_38 = arith.select %lt3A_33, %add3A_37, %select_n3A_26 : vector<4096x256xi1>, vector<4096x256xf32>
    %slice3A_39 = vector.extract_strided_slice %broadcast_in_dim3A_11 {offsets = [0, 768], sizes = [1, 256], strides = [1, 1]} : vector<1x1024xf32> to vector<1x256xf32>
    %add3A_40 = vector.broadcast %broadcast_in_dim3A : vector<4096x1xf32> to vector<4096x256xf32>
    %add3A_41 = vector.broadcast %slice3A_39 : vector<1x256xf32> to vector<4096x256xf32>
    %add3A_42 = arith.addf %add3A_40, %add3A_41 : vector<4096x256xf32>
    %slice3A_43 = vector.extract_strided_slice %dot_general3A_12 {offsets = [0, 768], sizes = [4096, 256], strides = [1, 1]} : vector<4096x1024xf32> to vector<4096x256xf32>
    %sub3A_44 = arith.subf %add3A_42, %slice3A_43 : vector<4096x256xf32>
    %lt3A_45 = arith.cmpf olt, %sub3A_44, %select_n3A_34 : vector<4096x256xf32>
    %select_n3A_46 = arith.select %lt3A_45, %sub3A_44, %select_n3A_34 : vector<4096x256xi1>, vector<4096x256xf32>
    %add3A_47 = arith.constant 7.680000e+02 : f32
    %add3A_48 = vector.broadcast %add3A_47 : f32 to vector<4096x256xf32>
    %add3A_49 = arith.addf %convert_element_type3A, %add3A_48 : vector<4096x256xf32>
    %select_n3A_50 = arith.select %lt3A_45, %add3A_49, %select_n3A_38 : vector<4096x256xi1>, vector<4096x256xf32>
    %reduce_min3A = arith.constant dense<0x7F800000> : vector<4096xf32>
    %reduce_min3A_51 = vector.multi_reduction <minimumf>, %select_n3A_46, %reduce_min3A [1] : vector<4096x256xf32> to vector<4096xf32>
    %broadcast_in_dim3A_52 = vector.shape_cast %reduce_min3A_51 : vector<4096xf32> to vector<4096x1xf32>
    %eq3A = vector.broadcast %broadcast_in_dim3A_52 : vector<4096x1xf32> to vector<4096x256xf32>
    %eq3A_53 = arith.cmpf oeq, %select_n3A_46, %eq3A : vector<4096x256xf32>
    %jit3A = arith.constant 1.024000e+03 : f32
    %broadcast_in_dim3A_54 = vector.broadcast %jit3A : f32 to vector<4096x256xf32>
    %select_n3A_55 = arith.select %eq3A_53, %select_n3A_50, %broadcast_in_dim3A_54 : vector<4096x256xi1>, vector<4096x256xf32>
    %reduce_min3A_56 = arith.constant dense<0x7F800000> : vector<4096xf32>
    %reduce_min3A_57 = vector.multi_reduction <minimumf>, %select_n3A_55, %reduce_min3A_56 [1] : vector<4096x256xf32> to vector<4096xf32>
    %broadcast_in_dim3A_58 = vector.shape_cast %reduce_min3A_57 : vector<4096xf32> to vector<4096x1xf32>
    %convert_element_type3A_59 = arith.fptosi %broadcast_in_dim3A_58 : vector<4096x1xf32> to vector<4096x1xi32>
    %reshape3A_60 = vector.shape_cast %convert_element_type3A_59 : vector<4096x1xi32> to vector<32x128xi32>
    %swap3A = arith.constant 0 : index
    %swap3A_61 = arith.constant 0 : index
    %swap3A_62 = vector.load %arg3[%swap3A, %swap3A_61] : memref<32x128xi32, #tpu.memory_space<vmem>>, vector<32x128xi32>
    tpu.vector_store %arg3[%swap3A, %swap3A_61], %reshape3A_60 {strides = array<i32>} : memref<32x128xi32, #tpu.memory_space<vmem>>, vector<32x128xi32>,
    %eq3A_63 = arith.constant 0 : i32
    %eq3A_64 = arith.cmpi eq, %arg0, %eq3A_63 : i32
    %convert_element_type3A_65 = arith.extui %eq3A_64 : i1 to i32
    %cond3A = arith.constant 0 : i32
    %cond3A_66 = arith.cmpi ne, %convert_element_type3A_65, %cond3A : i32
    scf.if %cond3A_66 {
      %swap3A_82 = arith.constant 0.000000e+00 : f32
      %swap3A_83 = arith.constant 0 : index
      %swap3A_84 = memref.load %arg5[%swap3A_83] : memref<1xf32, #tpu.memory_space<smem>>
      memref.store %swap3A_82, %arg5[%swap3A_83] : memref<1xf32, #tpu.memory_space<smem>>
    } else {
    }
    %get3A_67 = arith.constant 0 : index
    %get3A_68 = memref.load %arg5[%get3A_67] : memref<1xf32, #tpu.memory_space<smem>>
    %reduce_sum3A_69 = vector.shape_cast %broadcast_in_dim3A_52 : vector<4096x1xf32> to vector<1x4096x1xf32>
    %reduce_sum3A_70 = arith.constant dense<0.000000e+00> : vector<1xf32>
    %reduce_sum3A_71 = vector.multi_reduction <add>, %reduce_sum3A_69, %reduce_sum3A_70 [1, 2] : vector<1x4096x1xf32> to vector<1xf32>
    %reduce_sum3A_72 = vector.shape_cast %reduce_sum3A_71 : vector<1xf32> to vector<1x1x1xf32>
    %reduce_sum3A_73 = vector.extract %reduce_sum3A_72[0, 0, 0] : f32 from vector<1x1x1xf32>
    %add3A_74 = arith.addf %get3A_68, %reduce_sum3A_73 : f32
    %swap3A_75 = arith.constant 0 : index
    %swap3A_76 = memref.load %arg5[%swap3A_75] : memref<1xf32, #tpu.memory_space<smem>>
    memref.store %add3A_74, %arg5[%swap3A_75] : memref<1xf32, #tpu.memory_space<smem>>
    %eq3A_77 = arith.constant 3 : i32
    %eq3A_78 = arith.cmpi eq, %arg0, %eq3A_77 : i32
    %convert_element_type3A_79 = arith.extui %eq3A_78 : i1 to i32
    %cond3A_80 = arith.constant 0 : i32
    %cond3A_81 = arith.cmpi ne, %convert_element_type3A_79, %cond3A_80 : i32
    scf.if %cond3A_81 {
      %get3A_82 = arith.constant 0 : index
      %get3A_83 = memref.load %arg5[%get3A_82] : memref<1xf32, #tpu.memory_space<smem>>
      %mul3A_84 = arith.constant 1.1920929E-6 : f32
      %mul3A_85 = arith.mulf %get3A_83, %mul3A_84 : f32
      %swap3A_86 = arith.constant 0 : index
      %swap3A_87 = arith.constant 0 : index
      %swap3A_88 = memref.load %arg4[%swap3A_86, %swap3A_87] : memref<1x1xf32, #tpu.memory_space<smem>>
      memref.store %mul3A_85, %arg4[%swap3A_86, %swap3A_87] : memref<1x1xf32, #tpu.memory_space<smem>>
    } else {
    }
    return
  }
  func.func @transform_0(%arg0: i32) -> (i32, i32, i32, i32) {
    %c0_i32 = arith.constant 0 : i32
    %c0_i32_0 = arith.constant 0 : i32
    %c0_i32_1 = arith.constant 0 : i32
    %c0_i32_2 = arith.constant 0 : i32
    return %arg0, %c0_i32, %c0_i32_0, %c0_i32_1 : i32, i32, i32, i32
  }
  func.func @transform_1(%arg0: i32) -> (i32, i32) {
    %c0_i32 = arith.constant 0 : i32
    %c0_i32_0 = arith.constant 0 : i32
    %c0_i32_1 = arith.constant 0 : i32
    return %c0_i32, %c0_i32_0 : i32, i32
  }
  func.func @transform_2(%arg0: i32) -> (i32, i32) {
    %c0_i32 = arith.constant 0 : i32
    %c0_i32_0 = arith.constant 0 : i32
    return %arg0, %c0_i32 : i32, i32
  }
  func.func @transform_3(%arg0: i32) -> (i32, i32) {
    %c0_i32 = arith.constant 0 : i32
    %c0_i32_0 = arith.constant 0 : i32
    %c0_i32_1 = arith.constant 0 : i32
    return %c0_i32, %c0_i32_0 : i32, i32
  }
}

</mosaic_0001>

<sc_bundles>
// kernel: kernel.4.cloned.1.call-start
scs
__scs_entry_jumppad:
0x0: {  	(pc) =	sbr.rel $0x88, $3  }
0x1: {  	(tag) =	ssettag $0x0;
	lr =	simm.s32 $0x1  }
0x2: {  	[smem:$0x3F9F] =	sst lr;
	_ =	strace $0xD0000000  }
0x3: {  	_ = 	snop  }
0x4: {  	_ = 	snop  }
0x5: {  	_ = 	snop  }
0x6: {  	_ = 	snop  }
0x7: {  	_ = 	snop  }
__scs_overlays_trampoline_lowered:
0x8: {  	[smem:$0x3FAE] =	sst s0  }
0x9: {  	[smem:$0x3FAF] =	sst s1  }
0xa: {  	[smem:$0x3FB0] =	sst s2  }
0xb: {  	[smem:$0x3FB1] =	sst s3  }
0xc: {  	[smem:$0x3FB2] =	sst s4  }
0xd: {  	[smem:$0x3FB3] =	sst s5  }
0xe: {  	[smem:$0x3FB4] =	sst s6  }
0xf: {  	[smem:$0x3FB5] =	sst s7  }
0x10: {  	[smem:$0x3FB6] =	sst s8  }
0x11: {  	[smem:$0x3FB7] =	sst s9;
	s0 =	simm.s32 @!p0 $0x0  }
0x12: {  	s1 =	sld [smem:$0x3F9D];
	s0 =	simm.s32 @p0 $0x1  }
0x13: {  	[smem:$0x3FB8] =	sst s0;
	s0 =	simm.s32 @!p1 $0x0  }
0x14: {  	s2 =	sld [smem:$0x3F9C];
	s0 =	simm.s32 @p1 $0x1  }
0x15: {  	[smem:$0x3FB9] =	sst s0;
	s0 =	simm.s32 @!p2 $0x0  }
0x16: {  	s3 =	sld [smem:$0x3FDB];
	s0 =	simm.s32 @p2 $0x1  }
0x17: {  	s4 =	simm.s32 $0x1BF5;
	[smem:$0x3FBB] =	sst s0  }
0x18: {  	s0 =	sld [smem:$0x3F9E];
	_ =	swait.ge [sflag:s4], $0x0  }
0x19: {  	s7 =	sld [smem:$0x3F9F]  }
0x1a: {  	s8 =	sadd.s32 $0xFFFFE003, lr  }
0x1b: {  	s9 =	sadd.s32 $0xFFFFFEF7, lr;
	s5 =	simm.s32 $0xFFFFFFFF;
	p2 =	slt.u32 s8, $0xFFFFF086  }
0x1c: {  	p1 =	slt.u32 s9, $0xF7A;
	s5 =	simm.s32 @!p2 $0x0  }
0x1d: {  	s5 =	simm.s32 @p1 $0x1;
	p0 =	seq.s32 s7, s2  }
0x1e: {  	s7 =	smul.u32 @!p0 $0xF7A, s2;
	p2 =	seq.s32 @!p0 s5, $0x0  }
0x1f: {  	s9 =	smul.u32 $0xF7A, s1;
	s8 =	simm.s32 @!p0 $0x1BF5;
	p2 =	por !p2, p0  }
0x20: {  	[sflag:s8] =	ssyncset.s32 @!p0 $0xFFFFF086;
	s6 =	sadd.s32 @!p0 s3, s7;
	s7 =	simm.s32 @!p0 $0x108  }
0x21: {  	s3 =	sadd.s32 s3, s9;
	s6 =	sadd.s32 @!p0 $0x88, s6;
	s7 =	simm.s32 @p2 $0x1082  }
0x22: {  	[simem:s7], [sflag:s8] =	dma.local @!p0 [hbm:s6], $0xF7A  }
0x23: {  	s9 =	sor.u32 $0xD0000000, s2;
	s6 =	simm.s32 $0x108;
	_ =	swait.ge @!p0 [sflag:s8], $0x0  }
0x24: {  	s3 =	sadd.s32 $0x88, s3;
	s6 =	simm.s32 @!p1 $0x1082;
	[sflag:s4] =	ssyncset.s32 $0xFFFFF086  }
0x25: {  	[simem:s6], [sflag:s4] =	dma.local [hbm:s3], $0xF7A  }
0x26: {  	[smem:$0x3F9F] =	sst s1;
	(tag) =	ssettag s2;
	_ =	strace s9  }
0x27: {  	s1 =	sld [smem:$0x3FAF]  }
0x28: {  	s2 =	sld [smem:$0x3FB0]  }
0x29: {  	s4 =	sld [smem:$0x3FB2]  }
0x2a: {  	p0 =	seq.s32 s5, $0x0;
	s5 =	sld [smem:$0x3FB3]  }
0x2b: {  	s6 =	sld [smem:$0x3FB4]  }
0x2c: {  	s7 =	sld [smem:$0x3FB5]  }
0x2d: {  	s3 =	simm.s32 $0x108;
	s8 =	sld [smem:$0x3FB6]  }
0x2e: {  	s3 =	simm.s32 @!p0 $0x1082;
	s9 =	sld [smem:$0x3FB7]  }
0x2f: {  	lr =	sadd.s32 s0, s3;
	s0 =	sld [smem:$0x3FAE]  }
0x30: {  	s3 =	sld [smem:$0x3FB1]  }
0x31: {  	[smem:$0x3FBA] =	sst s10  }
0x32: {  	s10 =	sld [smem:$0x3FB8];
	_ =	sdelay $0x3  }
0x33: {  	p0 =	seq.s32 s10, $0x1;
	s10 =	sld [smem:$0x3FBA];
	_ =	sdelay $0x3  }
0x34: {  	[smem:$0x3FBA] =	sst s10  }
0x35: {  	s10 =	sld [smem:$0x3FB9];
	_ =	sdelay $0x3  }
0x36: {  	p1 =	seq.s32 s10, $0x1;
	s10 =	sld [smem:$0x3FBA];
	_ =	sdelay $0x3  }
0x37: {  	[smem:$0x3FBA] =	sst s10  }
0x38: {  	s10 =	sld [smem:$0x3FBB]  }
0x39: {  	_ = 	snop;
	(pc) =	sbr.ind lr, $3  }
0x3a: {  	_ = 	snop  }
0x3b: {  	_ = 	snop  }
0x3c: {  	p2 =	seq.s32 s10, $0x1;
	s10 =	sld [smem:$0x3FBA]  }
0x3d: {  	_ =	shalt  }
0x3e: {  	_ =	shalt  }
0x3f: {  	_ =	shalt  }
0x40: {  	_ =	shalt  }
0x41: {  	_ =	shalt  }
0x42: {  	_ =	shalt  }
0x43: {  	_ =	shalt  }
0x44: {  	_ =	shalt  }
0x45: {  	_ =	shalt  }
0x46: {  	_ =	shalt  }
0x47: {  	_ =	shalt  }
0x48: {  	_ =	shalt  }
0x49: {  	_ =	shalt  }
0x4a: {  	_ =	shalt  }
0x4b: {  	_ =	shalt  }
0x4c: {  	_ =	shalt  }
0x4d: {  	_ =	shalt  }
0x4e: {  	_ =	shalt  }
0x4f: {  	_ =	shalt  }
0x50: {  	_ =	shalt  }
0x51: {  	_ =	shalt  }
0x52: {  	_ =	shalt  }
0x53: {  	_ =	shalt  }
0x54: {  	_ =	shalt  }
0x55: {  	_ =	shalt  }
0x56: {  	_ =	shalt  }
0x57: {  	_ =	shalt  }
0x58: {  	_ =	shalt  }
0x59: {  	_ =	shalt  }
0x5a: {  	_ =	shalt  }
0x5b: {  	_ =	shalt  }
0x5c: {  	_ =	shalt  }
0x5d: {  	_ =	shalt  }
0x5e: {  	_ =	shalt  }
0x5f: {  	_ =	shalt  }
0x60: {  	_ =	shalt  }
0x61: {  	_ =	shalt  }
0x62: {  	_ =	shalt  }
0x63: {  	_ =	shalt  }
0x64: {  	_ =	shalt  }
0x65: {  	_ =	shalt  }
0x66: {  	_ =	shalt  }
0x67: {  	_ =	shalt  }
0x68: {  	_ =	shalt  }
0x69: {  	_ =	shalt  }
0x6a: {  	_ =	shalt  }
0x6b: {  	_ =	shalt  }
0x6c: {  	_ =	shalt  }
0x6d: {  	_ =	shalt  }
0x6e: {  	_ =	shalt  }
0x6f: {  	_ =	shalt  }
0x70: {  	_ =	shalt  }
0x71: {  	_ =	shalt  }
0x72: {  	_ =	shalt  }
0x73: {  	_ =	shalt  }
0x74: {  	_ =	shalt  }
0x75: {  	_ =	shalt  }
0x76: {  	_ =	shalt  }
0x77: {  	_ =	shalt  }
0x78: {  	_ =	shalt  }
0x79: {  	_ =	shalt  }
0x7a: {  	_ =	shalt  }
0x7b: {  	_ =	shalt  }
0x7c: {  	_ =	shalt  }
0x7d: {  	_ =	shalt  }
0x7e: {  	_ =	shalt  }
0x7f: {  	_ =	shalt  }
0x80: {  	_ =	shalt  }
0x81: {  	_ =	shalt  }
0x82: {  	_ =	shalt  }
0x83: {  	_ =	shalt  }
0x84: {  	_ =	shalt  }
0x85: {  	_ =	shalt  }
0x86: {  	_ =	shalt  }
0x87: {  	_ =	shalt  }
.Lfunc_end0:
.L_simem_size_0:
called_computation_lowered:
.L_overlay_start_0:
0x88: {  	s0 =	sld [smem:$0x3FD9]  }
0x89: {  	s1 =	sld [smem:$0x3FFE];
	_ =	sdelay $0x3  }
0x8a: {  	s0 =	sadd.s32 s1, s0  }
0x8b: {  	[smem:$0x3FC6] =	sst s0  }
0x8c: {  	_ = 	snop  }
0x8d: {  	s0 =	sld [smem:$0x3FD0];
	_ =	sdelay $0x2  }
0x8e: {  	s13 =	simm.s32 $0xA;
	s2 =	simm.s32 $0x10  }
0x8f: {  	[smem:s2], [sflag:s13] =	dma.local [hbm:s0], $0x1  }
0x90: {  	_ =	swait.eq [sflag:s13], $0x1  }
0x91: {  	[sflag:s13] =	ssyncset.done $0x0  }
0x92: {  	[sflag:s13] =	ssyncadd.s32 $0xFFFFFFFF  }
0x93: {  	s14 =	sld [smem:$0x10];
	(tm) =	ssettm $0x1  }
0x94: {  	s15 =	sld [smem:$0x3FFB];
	_ =	sdelay $0x3  }
0x95: {  	_ =	strace s15  }
0x96: {  	s1 =	sld [smem:$0x3FFC];
	_ =	sdelay $0x3  }
0x97: {  	_ =	strace s1  }
0x98: {  	s1 =	sld [smem:$0x3FFD];
	_ =	sdelay $0x3  }
0x99: {  	_ =	strace s1  }
0x9a: {  	_ =	strace $0x8FFFFFFF  }
0x9b: {  	s16 =	sld [smem:$0x3FDB];
	_ =	sdelay $0x1  }
0x9c: {  	s17 =	simm.s32 $_scs_section_size  }
0x9d: {  	s3 =	simm.s32 $_size__tile_overlayer_lowered;
	s4 =	simm.s32 $_tile_overlayer_lowered  }
0x9e: {  	s20 =	simm.s32 $0x1BFF;
	s19 =	sshll.u32 s4, $0x1;
	s1 =	sadd.s32 s17, s16  }
0x9f: {  	s5 =	simm.s32 $0x0;
	s18 =	sshll.u32 s3, $0x1;
	s3 =	sadd.s32 s19, s1  }
0xa0: {  	[timem:s5], [sflag:s20] =	dma.local [hbm:s3], s18  }
0xa1: {  	_ =	swait.ge [sflag:s20], s18  }
0xa2: {  	s2 =	ssub.s32 $0x0, s18;
	[sflag:s20] =	ssyncset.done $0x0  }
0xa3: {  	[sflag:s20] =	ssyncadd.s32 s2;
	_ =	sdelay $0x1  }
0xa4: {  	s21 =	simm.s32 $0x1B8B  }
0xa5: {  	_ =	swait.ge [sflag:s21], $0x1  }
0xa6: {  	[sflag:s21] =	ssyncset.done $0x0  }
0xa7: {  	s23 =	simm.s32 $0x1B8E;
	s22 =	sld [smem:$0x3FFE];
	[sflag:s21] =	ssyncadd.s32 $0xFFFFFFFF  }
0xa8: {  	s24 =	simm.s32 $execute0_lowered;
	[smem:$0x3FD2] =	sst s23  }
0xa9: {  	s3 =	sshll.u32 s24, $0x1;
	_ =	strace $0x80000046;
	[dreg:$0x1] =	wrdreg $0xFFFFFFFF  }
0xaa: {  	s25 =	simm.s32 $_size_execute0_lowered;
	s1 =	sadd.s32 s1, s3;
	[dreg:$0x0] =	wrdreg $0x0  }
0xab: {  	s3 =	sshll.u32 s25, $0x1;
	[dreg:$0x2] =	wrdreg s1  }
0xac: {  	[dreg:$0x3] =	wrdreg s3  }
0xad: {  	[dreg:$0x4] =	wrdreg $0xC0  }
0xae: {  	_ =	task [dreg:s5], $0x5FFFF  }
0xaf: {  	[dreg:$0x1] =	wrdreg $0xFFFFFFFF  }
0xb0: {  	[dreg:$0x0] =	wrdreg $0x60  }
0xb1: {  	[dreg:$0x2] =	wrdreg s14  }
0xb2: {  	[dreg:$0x3] =	wrdreg s22  }
0xb3: {  	[dreg:$0x4] =	wrdreg $0x9  }
0xb4: {  	_ =	task.clear_ibuf [dreg:s5], $0x5FFFF;
	_ =	strace $0x90000046  }
0xb5: {  	s26 =	simm.s32 $0x9;
	_ =	strace $0x80000048  }
0xb6: {  	_ =	swait.ge [sflag:s26], $0x1  }
0xb7: {  	[sflag:s26] =	ssyncadd.s32 $0xFFFFFFFF  }
0xb8: {  	_ =	strace $0x90000048  }
0xb9: {  	_ =	sfence  }
0xba: {  	s28 =	sld [smem:$0x0];
	_ =	sdelay $0x1  }
0xbb: {  	s29 =	srdreg.scid  }
0xbc: {  	s30 =	sshll.u32 s29, $0xD;
	s31 =	sshrl.u32 s29, $0x2  }
0xbd: {  	s2 =	sand.u32 $0x4000, s30;
	s1 =	sand.u32 $0x1, s29;
	s0 =	sadd.s32 s31, s28  }
0xbe: {  	s1 =	sor.u32 s2, s1;
	s0 =	sshll.u32 s0, $0x11  }
0xbf: {  	s0 =	sor.u32 s0, s1  }
0xc0: {  	s0 =	sadd.s32 $0x8F2B, s0  }
0xc1: {  	[sflag:s0] =	ssyncadd.remote.s32 $0x1  }
0xc2: {  	_ =	sfence.sel $0xFFFF  }
0xc3: {  	[dreg:$0x0] =	wrdreg $0xFFFFFFFF;
	(pc) =	sbr.abs _section_cstart, $3  }
0xc4: {  	[dreg:$0x1] =	wrdreg $0xFFFFFFFF  }
0xc5: {  	_ =	task.clear_ibuf [dreg:s5], $0x2FFFF;
	_ =	strace $0x9FFFFFFF  }
0xc6: {  	(tm) =	ssettm $0x7FFFFFFF  }
0xc7: {  	_ =	shalt  }
tec
execute0_lowered:
.L_overlay_start_1:
0x0: {  	(tag) =	ssettag $0x1  }
0x1: {  	s2 =	rddreg [dreg:$0x0]  }
0x2: {  	s3 =	rddreg [dreg:$0x1];
	s1 =	stileid.u32  }
0x3: {  	s0 =	rddreg [dreg:$0x2];
	s4 =	simm.s32 $0x0;
	s5 =	sshll.u32 s1, $0x7  }
0x4: {  	[smem:$0x7FF] =	sst s4;
	s5 =	sadd.s32 s5, s3  }
0x5: {  	s17 =	simm.s32 $0x2;
	_ =	strace $0x80000047;
	s5 =	sadd.s32 $0xC00, s5  }
0x6: {  	[tilespmem:s4], [sflag:$0x2] =	stream.linear.gather [hbm4b:s5+s4], $0x400, $0x38;
	[tilespmem:$0x10400] =	vst v63  }
0x7: {  	_ =	swait.ge [sflag:s17], $0x400  }
0x8: {  	[sflag:s17] =	ssyncset.done $0x0  }
0x9: {  	s6 =	simm.s32 $0x80;
	s7 =	simm.s32 $0x400;
	[sflag:s17] =	ssyncadd.s32 $0xFFFFFC00  }
0xa: {  	[tilespmem:s7], [sflag:$0x1] =	stream.indirect.gather [hbm4b:s2+s6], $0x40, s4, s6, $0xb8;
	[tilespmem:$0x10400] =	vst v63  }
0xb: {  	s8 =	simm.s32 $0x2400  }
0xc: {  	[tilespmem:s8], [sflag:$0x1] =	stream.indirect.gather [hbm4b:s2+s6], $0x40, s6, s6, $0xb8;
	[tilespmem:$0x10400] =	vst v63  }
0xd: {  	s18 =	simm.s32 $0x100;
	s9 =	simm.s32 $0x4400  }
0xe: {  	[tilespmem:s9], [sflag:$0x1] =	stream.indirect.gather [hbm4b:s2+s6], $0x40, s18, s6, $0xb8;
	[tilespmem:$0x10400] =	vst v63  }
0xf: {  	s19 =	simm.s32 $0x180;
	s20 =	simm.s32 $0x6400  }
0x10: {  	[tilespmem:s20], [sflag:$0x1] =	stream.indirect.gather [hbm4b:s2+s6], $0x40, s19, s6, $0xb8;
	[tilespmem:$0x10400] =	vst v63  }
0x11: {  	s21 =	simm.s32 $0x200;
	s22 =	simm.s32 $0x8400  }
0x12: {  	[tilespmem:s22], [sflag:$0x1] =	stream.indirect.gather [hbm4b:s2+s6], $0x40, s21, s6, $0xb8;
	[tilespmem:$0x10400] =	vst v63  }
0x13: {  	s23 =	simm.s32 $0x280;
	s24 =	simm.s32 $0xA400  }
0x14: {  	[tilespmem:s24], [sflag:$0x1] =	stream.indirect.gather [hbm4b:s2+s6], $0x40, s23, s6, $0xb8;
	[tilespmem:$0x10400] =	vst v63  }
0x15: {  	s25 =	simm.s32 $0x300;
	s26 =	simm.s32 $0xC400  }
0x16: {  	[tilespmem:s26], [sflag:$0x1] =	stream.indirect.gather [hbm4b:s2+s6], $0x40, s25, s6, $0xb8;
	[tilespmem:$0x10400] =	vst v63  }
0x17: {  	s28 =	simm.s32 $0x380;
	s29 =	simm.s32 $0xE400;
	s30 =	simm.s32 $0x1  }
0x18: {  	[tilespmem:s29], [sflag:$0x1] =	stream.indirect.gather [hbm4b:s2+s6], $0x40, s28, s6, $0xb8;
	[tilespmem:$0x10400] =	vst v63  }
0x19: {  	_ =	swait.ge [sflag:s30], $0x2000  }
0x1a: {  	[sflag:s30] =	ssyncset.done $0x0  }
0x1b: {  	[sflag:s30] =	ssyncadd.s32 $0xFFFFE000  }
0x1c: {  	_ =	swait.ge [sflag:s30], $0x2000  }
0x1d: {  	[sflag:s30] =	ssyncset.done $0x0  }
0x1e: {  	[sflag:s30] =	ssyncadd.s32 $0xFFFFE000  }
0x1f: {  	_ =	swait.ge [sflag:s30], $0x2000  }
0x20: {  	[sflag:s30] =	ssyncset.done $0x0  }
0x21: {  	[sflag:s30] =	ssyncadd.s32 $0xFFFFE000  }
0x22: {  	_ =	swait.ge [sflag:s30], $0x2000  }
0x23: {  	[sflag:s30] =	ssyncset.done $0x0  }
0x24: {  	[sflag:s30] =	ssyncadd.s32 $0xFFFFE000  }
0x25: {  	_ =	swait.ge [sflag:s30], $0x2000  }
0x26: {  	[sflag:s30] =	ssyncset.done $0x0  }
0x27: {  	[sflag:s30] =	ssyncadd.s32 $0xFFFFE000  }
0x28: {  	_ =	swait.ge [sflag:s30], $0x2000  }
0x29: {  	[sflag:s30] =	ssyncset.done $0x0  }
0x2a: {  	[sflag:s30] =	ssyncadd.s32 $0xFFFFE000  }
0x2b: {  	_ =	swait.ge [sflag:s30], $0x2000  }
0x2c: {  	[sflag:s30] =	ssyncset.done $0x0  }
0x2d: {  	[sflag:s30] =	ssyncadd.s32 $0xFFFFE000  }
0x2e: {  	s31 =	sshll.u32 s1, $0xD;
	_ =	swait.ge [sflag:s30], $0x2000  }
0x2f: {  	s3 =	sadd.s32 s31, s3;
	[sflag:s30] =	ssyncset.done $0x0  }
0x30: {  	s3 =	sadd.s32 $0x1400, s3;
	[sflag:s30] =	ssyncadd.s32 $0xFFFFE000  }
0x31: {  	[hbm4b:s3+s4] =	stream.linear.scatter [tilespmem:s7], [sflag:$0x2], $0x10000, $0x38;
	[tilespmem:$0x10400] =	vst v63  }
0x32: {  	_ =	swait.ge [sflag:s17], $0x10000  }
0x33: {  	[sflag:s17] =	ssyncset.done $0x0  }
0x34: {  	[sflag:s17] =	ssyncadd.s32 $0xFFFF0000  }
0x35: {  	_ =	sfence.sel $0x180000  }
0x36: {  	[bflag:$0x0] =	sbarrier.arrive $0xFFFF  }
0x37: {  	p0 =	sne.s32 s1, $0x0;
	_ =	strace $0x90000047  }
0x38: {  	s0 =	sadd.s32 @!p0 $0x100000, s0;
	[bflag:$0x2] =	sbarrier.arrive $0xFFFF  }
0x39: {  	[sflag:s0] =	ssyncadd.tile.s32 @!p0 $0x1;
	_ =	shalt  }
.Lfunc_end2:
_tile_overlayer_lowered:
.L_overlay_start_2:
0x3a: {  	(tag) =	ssettag $0x2  }
0x3b: {  	s0 =	rddreg [dreg:$0x0];
	s2 =	stileid.u32  }
0x3c: {  	s1 =	rddreg [dreg:$0x1];
	p0 =	sne.s32 s2, $0x0  }
0x3d: {  	s3 =	rddreg [dreg:$0x2];
	[bflag:$0x3] =	sbarrier.arrive $0xFFFF;
	s2 =	simm.s32 @!p0 $0x1C02  }
0x3e: {  	[timem:s3], [sflag:s2] =	dma.local @!p0 [hbm:s0], s1  }
0x3f: {  	s0 =	simm.s32 @!p0 $0x2  }
0x40: {  	_ =	swait.ge @!p0 [sflag:s0], s1  }
0x41: {  	s1 =	ssub.s32 @!p0 $0x0, s1;
	[sflag:s0] =	ssyncset.done @!p0 $0x0  }
0x42: {  	[sflag:s0] =	ssyncadd.s32 @!p0 s1  }
0x43: {  	[bflag:$0x3] =	sbarrier.arrive $0xFFFF  }
0x44: {  	_ =	shalt  }

</sc_bundles>
